<compile_context>
chip_gen: v7x
topology: tpu7x:2x2x1
jax: 0.10.2.dev20260603
libtpu: 0.0.44.dev20260713+nightly
codegen_flags: <defaults>
</compile_context>

<pallas_src>
import functools

import jax
import jax.numpy as jnp
from jax.experimental import pallas as pl

N_WAY = 5
K_SHOT = 5
NBNN_TOPK = 3
TEMPERATURE = 0.1
G = 32


def _mn4_kernel(qmat_ref, smat_ref, onehot_ref, out_ref, *, q, c, hw, m_s):
    ns = N_WAY * m_s
    qmat = qmat_ref[0]
    smat = smat_ref[0]
    onehot = onehot_ref[0]

    raw = jnp.dot(qmat, smat, preferred_element_type=jnp.float32)
    qn2 = jnp.sum(qmat * qmat, axis=1, keepdims=True)
    sn2 = jnp.sum(smat * smat, axis=0, keepdims=True)
    rq = 1.0 / (jnp.sqrt(qn2) + 1e-12)
    rs = 1.0 / (jnp.sqrt(sn2) + 1e-12)
    sim2 = raw * rq * rs
    sim = sim2.reshape(q, G, ns)

    iota_j = jax.lax.broadcasted_iota(jnp.int32, (1, 1, ns), 2)
    iota_i = jax.lax.broadcasted_iota(jnp.int32, (1, G, 1), 1)
    valid = iota_i < hw
    validf = valid.astype(jnp.float32)

    cwm = jnp.max(sim, axis=2, keepdims=True)
    qn = jnp.min(jnp.where(sim == cwm, iota_j, ns), axis=2, keepdims=True)

    point = (qn == iota_j) & valid
    cm = jnp.where(point, cwm + 1.0, 0.0)
    win_val = jnp.max(cm, axis=1, keepdims=True)
    win_idx = jnp.min(jnp.where(cm == win_val, iota_i, G), axis=1,
                      keepdims=True)

    mask = jnp.max((point & (win_idx == iota_i)).astype(jnp.float32),
                   axis=2, keepdims=True)
    mask = mask * validf

    iota_m = jax.lax.broadcasted_iota(jnp.int32, (1, 1, m_s), 2)
    neg = jnp.float32(-3.0e38)

    def top3_mean(chunk):
        m1 = jnp.max(chunk, axis=2, keepdims=True)
        f1 = jnp.min(jnp.where(chunk == m1, iota_m, m_s), axis=2, keepdims=True)
        chunk = jnp.where(iota_m == f1, neg, chunk)
        m2 = jnp.max(chunk, axis=2, keepdims=True)
        f2 = jnp.min(jnp.where(chunk == m2, iota_m, m_s), axis=2, keepdims=True)
        chunk = jnp.where(iota_m == f2, neg, chunk)
        m3 = jnp.max(chunk, axis=2, keepdims=True)
        return (m1 + m2 + m3) * jnp.float32(1.0 / 3.0)

    qvs = []
    for n in range(N_WAY):
        val_n = top3_mean(sim[:, :, n * m_s:(n + 1) * m_s])
        qvs.append(jnp.sum(val_n * mask, axis=1, keepdims=True))
    logits = jnp.concatenate(qvs, axis=2) * jnp.float32(1.0 / TEMPERATURE)

    lm = jnp.max(logits, axis=2, keepdims=True)
    lse = lm + jnp.log(jnp.sum(jnp.exp(logits - lm), axis=2, keepdims=True))
    logp = logits - lse
    partial = jnp.zeros((1, 1), jnp.float32) - jnp.sum(logp * onehot)

    @pl.when(pl.program_id(0) == 0)
    def _():
        out_ref[...] = jnp.zeros((1, 1), jnp.float32)

    out_ref[...] += partial


def kernel(support_xf, support_y, query_xf, query_y):
    b, q, c, h, w = query_xf.shape
    hw = h * w
    m_s = K_SHOT * hw
    ns = N_WAY * m_s

    sup = support_xf.reshape(b, N_WAY, K_SHOT, c, hw)
    sup = jnp.transpose(sup, (0, 1, 3, 2, 4)).reshape(b, N_WAY, c, m_s)
    smat = jnp.transpose(sup, (0, 2, 1, 3)).reshape(b, c, ns)

    qmat = jnp.transpose(query_xf.reshape(b, q, c, hw), (0, 1, 3, 2))
    qmat = jnp.pad(qmat, ((0, 0), (0, 0), (0, G - hw), (0, 0)))
    qmat = qmat.reshape(b, q * G, c)

    onehot = (query_y[..., None] == jnp.arange(N_WAY, dtype=query_y.dtype))
    onehot = onehot.astype(jnp.float32).reshape(b, q, 1, N_WAY)

    loss_sum = pl.pallas_call(
        functools.partial(_mn4_kernel, q=q, c=c, hw=hw, m_s=m_s),
        grid=(b,),
        in_specs=[
            pl.BlockSpec((1, q * G, c), lambda i: (i, 0, 0)),
            pl.BlockSpec((1, c, ns), lambda i: (i, 0, 0)),
            pl.BlockSpec((1, q, 1, N_WAY), lambda i: (i, 0, 0, 0)),
        ],
        out_specs=pl.BlockSpec((1, 1), lambda i: (0, 0)),
        out_shape=jax.ShapeDtypeStruct((1, 1), jnp.float32),
    )(qmat, smat, onehot)

    return loss_sum[0, 0] / (b * q)

# --- scband reference (transcript-rebuilt; emitter-appended) ---
"""Pipeline reference for scband-mn4-80444737454121 (READ-ONLY COPY).

The authoritative reference and input builder live on the scoring server;
editing this copy changes nothing except your own understanding.
"""

import jax, jax.numpy as jnp
import numpy as np

N_WAY = 5
K_SHOT = 5
NBNN_TOPK = 3
TEMPERATURE = 0.1
B, Q, C, H, W = 8, 75, 640, 5, 5
S = N_WAY * K_SHOT


def setup_inputs(seed: int = 0):
    key = jax.random.key(seed)
    k0, k1, k2, k3 = jax.random.split(key, 4)
    support_xf = jax.random.normal(k0, (B, S, C, H, W), dtype=jnp.float32)
    query_xf = jax.random.normal(k1, (B, Q, C, H, W), dtype=jnp.float32)
    support_y = jax.random.randint(k2, (B, S), 0, N_WAY, dtype=jnp.int32)
    query_y = jax.random.randint(k3, (B, Q), 0, N_WAY, dtype=jnp.int32)
    return {"support_xf": support_xf, "support_y": support_y, "query_xf": query_xf, "query_y": query_y}


def _inner_simi(support_xf, query_xf):
    b, q, c, h, w = query_xf.shape
    sup = support_xf.reshape(b, N_WAY, K_SHOT, c, h, w)
    sup = jnp.transpose(sup, (0, 1, 3, 2, 4, 5)).reshape(b, N_WAY, c, K_SHOT * h * w)
    qf = query_xf.reshape(b, q, c, h * w)
    sup = sup / (jnp.linalg.norm(sup, axis=-2, keepdims=True) + 1e-12)
    qf = qf / (jnp.linalg.norm(qf, axis=-2, keepdims=True) + 1e-12)
    qf = jnp.swapaxes(qf, -2, -1)[:, :, None, :, :]
    sup = sup[:, None, :, :, :]
    simi = jnp.matmul(qf, sup)
    return simi


def _mnn_mask(simi):
    b, q, n, m_q, m_s = simi.shape
    merged = jnp.transpose(simi, (0, 1, 3, 2, 4)).reshape(b, q, m_q, n * m_s)
    query_nearest = jnp.argmax(merged, axis=-1)
    class_wise_max = jnp.max(jnp.max(simi, axis=-1), axis=2) + 1.0
    class_m = jax.nn.one_hot(query_nearest, n * m_s, dtype=jnp.float32) * class_wise_max[..., None]
    support_nearest = jnp.argmax(class_m, axis=-2)
    sn = support_nearest.reshape(b * q, n * m_s)
    qn = query_nearest.reshape(b * q, m_q)
    gathered = jnp.take_along_axis(sn, qn, axis=1)
    mask = (gathered == jnp.arange(m_q)[None, :]).reshape(b, q, m_q)
    return mask


def reference(support_xf, support_y, query_xf, query_y):
    b, q = query_xf.shape[0], query_xf.shape[1]
    simi = _inner_simi(support_xf, query_xf)
    q_mask = _mnn_mask(simi)
    topk_vals = jax.lax.top_k(simi, NBNN_TOPK)[0]
    query_value = jnp.sum(jnp.mean(topk_vals, axis=-1) * q_mask.astype(jnp.float32)[:, :, None, :], axis=-1)
    query_value = query_value.reshape(b * q, N_WAY)
    logits = query_value / TEMPERATURE
    labels = query_y.reshape(b * q)
    logp = jax.nn.log_softmax(logits, axis=-1)
    loss = -jnp.mean(jnp.take_along_axis(logp, labels[:, None], axis=1)[:, 0])
    return loss

if __name__ == "__main__":
    import jax
    _d = setup_inputs()
    print(jax.jit(kernel)(*tuple(_d.values())))

</pallas_src>

<mosaic_0001>
module attributes {stable_mosaic.version = 14 : i64} {
  func.func @_mn4_kernel(%arg0: i32, %arg1: memref<1x2400x640xf32, #tpu.memory_space<vmem>>, %arg2: memref<1x640x625xf32, #tpu.memory_space<vmem>>, %arg3: memref<1x75x1x5xf32, #tpu.memory_space<vmem>>, %arg4: memref<1x1xf32, #tpu.memory_space<vmem>>) attributes {dimension_semantics = [#tpu.dimension_semantics<arbitrary>], iteration_bounds = array<i64: 8>, scalar_prefetch = 0 : i64, scratch_operands = 0 : i64, tpu.core_type = #tpu.core_type<tc>, window_params = [{transform_indices = @transform_0, window_bounds = array<i64: 1, 2400, 640>}, {transform_indices = @transform_1, window_bounds = array<i64: 1, 640, 625>}, {transform_indices = @transform_2, window_bounds = array<i64: 1, 75, 1, 5>}, {pipeline_mode = #tpu.pipeline_mode<synchronous>, transform_indices = @transform_3, window_bounds = array<i64: 1, 1>}]} {
    %get3A = arith.constant 0 : index
    %get3A_0 = arith.constant 0 : index
    %get3A_1 = arith.constant 0 : index
    %get3A_2 = vector.load %arg1[%get3A, %get3A_0, %get3A_1] : memref<1x2400x640xf32, #tpu.memory_space<vmem>>, vector<1x2400x640xf32>
    %get3A_3 = vector.shape_cast %get3A_2 : vector<1x2400x640xf32> to vector<2400x640xf32>
    %get3A_4 = arith.constant 0 : index
    %get3A_5 = arith.constant 0 : index
    %get3A_6 = arith.constant 0 : index
    %get3A_7 = vector.load %arg2[%get3A_4, %get3A_5, %get3A_6] : memref<1x640x625xf32, #tpu.memory_space<vmem>>, vector<1x640x625xf32>
    %get3A_8 = vector.shape_cast %get3A_7 : vector<1x640x625xf32> to vector<640x625xf32>
    %get3A_9 = arith.constant 0 : index
    %get3A_10 = arith.constant 0 : index
    %get3A_11 = arith.constant 0 : index
    %get3A_12 = arith.constant 0 : index
    %get3A_13 = vector.load %arg3[%get3A_9, %get3A_10, %get3A_11, %get3A_12] : memref<1x75x1x5xf32, #tpu.memory_space<vmem>>, vector<1x75x1x5xf32>
    %get3A_14 = vector.shape_cast %get3A_13 : vector<1x75x1x5xf32> to vector<75x1x5xf32>
    %dot_general3A = arith.constant dense<0.000000e+00> : vector<2400x625xf32>
    %dot_general3A_15 = tpu.matmul %get3A_3, %get3A_8, %dot_general3A {dimension_numbers = #tpu.dot_dimension_numbers<[1], [0], [0], [1], [0, 0, 1, 1], [], []>, transpose_lhs_hint = false} : vector<2400x640xf32>, vector<640x625xf32>, vector<2400x625xf32> -> vector<2400x625xf32>
    %mul3A = arith.mulf %get3A_3, %get3A_3 : vector<2400x640xf32>
    %reduce_sum3A = arith.constant dense<0.000000e+00> : vector<2400xf32>
    %reduce_sum3A_16 = vector.multi_reduction <add>, %mul3A, %reduce_sum3A [1] : vector<2400x640xf32> to vector<2400xf32>
    %broadcast_in_dim3A = vector.shape_cast %reduce_sum3A_16 : vector<2400xf32> to vector<2400x1xf32>
    %mul3A_17 = arith.mulf %get3A_8, %get3A_8 : vector<640x625xf32>
    %reduce_sum3A_18 = arith.constant dense<0.000000e+00> : vector<625xf32>
    %reduce_sum3A_19 = vector.multi_reduction <add>, %mul3A_17, %reduce_sum3A_18 [0] : vector<640x625xf32> to vector<625xf32>
    %broadcast_in_dim3A_20 = vector.shape_cast %reduce_sum3A_19 : vector<625xf32> to vector<1x625xf32>
    %sqrt3A = math.sqrt %broadcast_in_dim3A : vector<2400x1xf32>
    %add3A = arith.constant 9.99999996E-13 : f32
    %add3A_21 = vector.broadcast %add3A : f32 to vector<2400x1xf32>
    %add3A_22 = arith.addf %sqrt3A, %add3A_21 : vector<2400x1xf32>
    %div3A = arith.constant 1.000000e+00 : f32
    %div3A_23 = vector.broadcast %div3A : f32 to vector<2400x1xf32>
    %div3A_24 = arith.divf %div3A_23, %add3A_22 : vector<2400x1xf32>
    %sqrt3A_25 = math.sqrt %broadcast_in_dim3A_20 : vector<1x625xf32>
    %add3A_26 = arith.constant 9.99999996E-13 : f32
    %add3A_27 = vector.broadcast %add3A_26 : f32 to vector<1x625xf32>
    %add3A_28 = arith.addf %sqrt3A_25, %add3A_27 : vector<1x625xf32>
    %div3A_29 = arith.constant 1.000000e+00 : f32
    %div3A_30 = vector.broadcast %div3A_29 : f32 to vector<1x625xf32>
    %div3A_31 = arith.divf %div3A_30, %add3A_28 : vector<1x625xf32>
    %mul3A_32 = vector.broadcast %div3A_24 : vector<2400x1xf32> to vector<2400x625xf32>
    %mul3A_33 = arith.mulf %dot_general3A_15, %mul3A_32 : vector<2400x625xf32>
    %mul3A_34 = vector.broadcast %div3A_31 : vector<1x625xf32> to vector<2400x625xf32>
    %mul3A_35 = arith.mulf %mul3A_33, %mul3A_34 : vector<2400x625xf32>
    %reshape3A = vector.shape_cast %mul3A_35 : vector<2400x625xf32> to vector<75x32x625xf32>
    %iota3A = tpu.iota {dimensions = array<i32: 2>} : vector<1x1x625xi32>
    %iota3A_36 = tpu.iota {dimensions = array<i32: 1>} : vector<1x32x1xi32>
    %lt3A = arith.constant 25 : i32
    %lt3A_37 = vector.broadcast %lt3A : i32 to vector<1x32x1xi32>
    %lt3A_38 = arith.cmpi slt, %iota3A_36, %lt3A_37 : vector<1x32x1xi32>
    %convert_element_type3A = arith.extui %lt3A_38 : vector<1x32x1xi1> to vector<1x32x1xi32>
    %convert_element_type3A_39 = arith.sitofp %convert_element_type3A : vector<1x32x1xi32> to vector<1x32x1xf32>
    %reduce_max3A = arith.constant dense<0xFF800000> : vector<75x32xf32>
    %reduce_max3A_40 = vector.multi_reduction <maximumf>, %reshape3A, %reduce_max3A [2] : vector<75x32x625xf32> to vector<75x32xf32>
    %broadcast_in_dim3A_41 = vector.shape_cast %reduce_max3A_40 : vector<75x32xf32> to vector<75x32x1xf32>
    %eq3A = vector.broadcast %broadcast_in_dim3A_41 : vector<75x32x1xf32> to vector<75x32x625xf32>
    %eq3A_42 = arith.cmpf oeq, %reshape3A, %eq3A : vector<75x32x625xf32>
    %jit3A = arith.constant 625 : i32
    %broadcast_in_dim3A_43 = vector.shape_cast %iota3A : vector<1x1x625xi32> to vector<1x1x625xi32>
    %broadcast_in_dim3A_44 = vector.broadcast %broadcast_in_dim3A_43 : vector<1x1x625xi32> to vector<75x32x625xi32>
    %broadcast_in_dim3A_45 = vector.broadcast %jit3A : i32 to vector<75x32x625xi32>
    %select_n3A = arith.select %eq3A_42, %broadcast_in_dim3A_44, %broadcast_in_dim3A_45 : vector<75x32x625xi1>, vector<75x32x625xi32>
    %reduce_min3A = arith.constant dense<2147483647> : vector<75x32xi32>
    %reduce_min3A_46 = vector.multi_reduction <minsi>, %select_n3A, %reduce_min3A [2] : vector<75x32x625xi32> to vector<75x32xi32>
    %broadcast_in_dim3A_47 = vector.shape_cast %reduce_min3A_46 : vector<75x32xi32> to vector<75x32x1xi32>
    %eq3A_48 = vector.broadcast %broadcast_in_dim3A_47 : vector<75x32x1xi32> to vector<75x32x625xi32>
    %eq3A_49 = vector.broadcast %iota3A : vector<1x1x625xi32> to vector<75x32x625xi32>
    %eq3A_50 = arith.cmpi eq, %eq3A_48, %eq3A_49 : vector<75x32x625xi32>
    %and3A = vector.broadcast %lt3A_38 : vector<1x32x1xi1> to vector<75x32x625xi1>
    %and3A_51 = arith.andi %eq3A_50, %and3A : vector<75x32x625xi1>
    %add3A_52 = arith.constant 1.000000e+00 : f32
    %add3A_53 = vector.broadcast %add3A_52 : f32 to vector<75x32x1xf32>
    %add3A_54 = arith.addf %broadcast_in_dim3A_41, %add3A_53 : vector<75x32x1xf32>
    %jit3A_55 = arith.constant 0.000000e+00 : f32
    %broadcast_in_dim3A_56 = vector.shape_cast %add3A_54 : vector<75x32x1xf32> to vector<75x32x1xf32>
    %broadcast_in_dim3A_57 = vector.broadcast %broadcast_in_dim3A_56 : vector<75x32x1xf32> to vector<75x32x625xf32>
    %broadcast_in_dim3A_58 = vector.broadcast %jit3A_55 : f32 to vector<75x32x625xf32>
    %select_n3A_59 = arith.select %and3A_51, %broadcast_in_dim3A_57, %broadcast_in_dim3A_58 : vector<75x32x625xi1>, vector<75x32x625xf32>
    %reduce_max3A_60 = arith.constant dense<0xFF800000> : vector<75x625xf32>
    %reduce_max3A_61 = vector.multi_reduction <maximumf>, %select_n3A_59, %reduce_max3A_60 [1] : vector<75x32x625xf32> to vector<75x625xf32>
    %broadcast_in_dim3A_62 = vector.shape_cast %reduce_max3A_61 : vector<75x625xf32> to vector<75x1x625xf32>
    %eq3A_63 = vector.broadcast %broadcast_in_dim3A_62 : vector<75x1x625xf32> to vector<75x32x625xf32>
    %eq3A_64 = arith.cmpf oeq, %select_n3A_59, %eq3A_63 : vector<75x32x625xf32>
    %jit3A_65 = arith.constant 32 : i32
    %broadcast_in_dim3A_66 = vector.shape_cast %iota3A_36 : vector<1x32x1xi32> to vector<1x32x1xi32>
    %broadcast_in_dim3A_67 = vector.broadcast %broadcast_in_dim3A_66 : vector<1x32x1xi32> to vector<75x32x625xi32>
    %broadcast_in_dim3A_68 = vector.broadcast %jit3A_65 : i32 to vector<75x32x625xi32>
    %select_n3A_69 = arith.select %eq3A_64, %broadcast_in_dim3A_67, %broadcast_in_dim3A_68 : vector<75x32x625xi1>, vector<75x32x625xi32>
    %reduce_min3A_70 = arith.constant dense<2147483647> : vector<75x625xi32>
    %reduce_min3A_71 = vector.multi_reduction <minsi>, %select_n3A_69, %reduce_min3A_70 [1] : vector<75x32x625xi32> to vector<75x625xi32>
    %broadcast_in_dim3A_72 = vector.shape_cast %reduce_min3A_71 : vector<75x625xi32> to vector<75x1x625xi32>
    %eq3A_73 = vector.broadcast %broadcast_in_dim3A_72 : vector<75x1x625xi32> to vector<75x32x625xi32>
    %eq3A_74 = vector.broadcast %iota3A_36 : vector<1x32x1xi32> to vector<75x32x625xi32>
    %eq3A_75 = arith.cmpi eq, %eq3A_73, %eq3A_74 : vector<75x32x625xi32>
    %and3A_76 = arith.andi %and3A_51, %eq3A_75 : vector<75x32x625xi1>
    %convert_element_type3A_77 = arith.extui %and3A_76 : vector<75x32x625xi1> to vector<75x32x625xi32>
    %convert_element_type3A_78 = arith.sitofp %convert_element_type3A_77 : vector<75x32x625xi32> to vector<75x32x625xf32>
    %reduce_max3A_79 = arith.constant dense<0xFF800000> : vector<75x32xf32>
    %reduce_max3A_80 = vector.multi_reduction <maximumf>, %convert_element_type3A_78, %reduce_max3A_79 [2] : vector<75x32x625xf32> to vector<75x32xf32>
    %broadcast_in_dim3A_81 = vector.shape_cast %reduce_max3A_80 : vector<75x32xf32> to vector<75x32x1xf32>
    %mul3A_82 = vector.broadcast %convert_element_type3A_39 : vector<1x32x1xf32> to vector<75x32x1xf32>
    %mul3A_83 = arith.mulf %broadcast_in_dim3A_81, %mul3A_82 : vector<75x32x1xf32>
    %iota3A_84 = tpu.iota {dimensions = array<i32: 2>} : vector<1x1x125xi32>
    %slice3A = vector.extract_strided_slice %reshape3A {offsets = [0, 0, 0], sizes = [75, 32, 125], strides = [1, 1, 1]} : vector<75x32x625xf32> to vector<75x32x125xf32>
    %reduce_max3A_85 = arith.constant dense<0xFF800000> : vector<75x32xf32>
    %reduce_max3A_86 = vector.multi_reduction <maximumf>, %slice3A, %reduce_max3A_85 [2] : vector<75x32x125xf32> to vector<75x32xf32>
    %broadcast_in_dim3A_87 = vector.shape_cast %reduce_max3A_86 : vector<75x32xf32> to vector<75x32x1xf32>
    %eq3A_88 = vector.broadcast %broadcast_in_dim3A_87 : vector<75x32x1xf32> to vector<75x32x125xf32>
    %eq3A_89 = arith.cmpf oeq, %slice3A, %eq3A_88 : vector<75x32x125xf32>
    %jit3A_90 = arith.constant 125 : i32
    %broadcast_in_dim3A_91 = vector.shape_cast %iota3A_84 : vector<1x1x125xi32> to vector<1x1x125xi32>
    %broadcast_in_dim3A_92 = vector.broadcast %broadcast_in_dim3A_91 : vector<1x1x125xi32> to vector<75x32x125xi32>
    %broadcast_in_dim3A_93 = vector.broadcast %jit3A_90 : i32 to vector<75x32x125xi32>
    %select_n3A_94 = arith.select %eq3A_89, %broadcast_in_dim3A_92, %broadcast_in_dim3A_93 : vector<75x32x125xi1>, vector<75x32x125xi32>
    %reduce_min3A_95 = arith.constant dense<2147483647> : vector<75x32xi32>
    %reduce_min3A_96 = vector.multi_reduction <minsi>, %select_n3A_94, %reduce_min3A_95 [2] : vector<75x32x125xi32> to vector<75x32xi32>
    %broadcast_in_dim3A_97 = vector.shape_cast %reduce_min3A_96 : vector<75x32xi32> to vector<75x32x1xi32>
    %eq3A_98 = vector.broadcast %iota3A_84 : vector<1x1x125xi32> to vector<75x32x125xi32>
    %eq3A_99 = vector.broadcast %broadcast_in_dim3A_97 : vector<75x32x1xi32> to vector<75x32x125xi32>
    %eq3A_100 = arith.cmpi eq, %eq3A_98, %eq3A_99 : vector<75x32x125xi32>
    %jit3A_101 = arith.constant -3.000000e+38 : f32
    %broadcast_in_dim3A_102 = vector.broadcast %jit3A_101 : f32 to vector<75x32x125xf32>
    %select_n3A_103 = arith.select %eq3A_100, %broadcast_in_dim3A_102, %slice3A : vector<75x32x125xi1>, vector<75x32x125xf32>
    %reduce_max3A_104 = arith.constant dense<0xFF800000> : vector<75x32xf32>
    %reduce_max3A_105 = vector.multi_reduction <maximumf>, %select_n3A_103, %reduce_max3A_104 [2] : vector<75x32x125xf32> to vector<75x32xf32>
    %broadcast_in_dim3A_106 = vector.shape_cast %reduce_max3A_105 : vector<75x32xf32> to vector<75x32x1xf32>
    %eq3A_107 = vector.broadcast %broadcast_in_dim3A_106 : vector<75x32x1xf32> to vector<75x32x125xf32>
    %eq3A_108 = arith.cmpf oeq, %select_n3A_103, %eq3A_107 : vector<75x32x125xf32>
    %jit3A_109 = arith.constant 125 : i32
    %broadcast_in_dim3A_110 = vector.shape_cast %iota3A_84 : vector<1x1x125xi32> to vector<1x1x125xi32>
    %broadcast_in_dim3A_111 = vector.broadcast %broadcast_in_dim3A_110 : vector<1x1x125xi32> to vector<75x32x125xi32>
    %broadcast_in_dim3A_112 = vector.broadcast %jit3A_109 : i32 to vector<75x32x125xi32>
    %select_n3A_113 = arith.select %eq3A_108, %broadcast_in_dim3A_111, %broadcast_in_dim3A_112 : vector<75x32x125xi1>, vector<75x32x125xi32>
    %reduce_min3A_114 = arith.constant dense<2147483647> : vector<75x32xi32>
    %reduce_min3A_115 = vector.multi_reduction <minsi>, %select_n3A_113, %reduce_min3A_114 [2] : vector<75x32x125xi32> to vector<75x32xi32>
    %broadcast_in_dim3A_116 = vector.shape_cast %reduce_min3A_115 : vector<75x32xi32> to vector<75x32x1xi32>
    %eq3A_117 = vector.broadcast %iota3A_84 : vector<1x1x125xi32> to vector<75x32x125xi32>
    %eq3A_118 = vector.broadcast %broadcast_in_dim3A_116 : vector<75x32x1xi32> to vector<75x32x125xi32>
    %eq3A_119 = arith.cmpi eq, %eq3A_117, %eq3A_118 : vector<75x32x125xi32>
    %jit3A_120 = arith.constant -3.000000e+38 : f32
    %broadcast_in_dim3A_121 = vector.broadcast %jit3A_120 : f32 to vector<75x32x125xf32>
    %select_n3A_122 = arith.select %eq3A_119, %broadcast_in_dim3A_121, %select_n3A_103 : vector<75x32x125xi1>, vector<75x32x125xf32>
    %reduce_max3A_123 = arith.constant dense<0xFF800000> : vector<75x32xf32>
    %reduce_max3A_124 = vector.multi_reduction <maximumf>, %select_n3A_122, %reduce_max3A_123 [2] : vector<75x32x125xf32> to vector<75x32xf32>
    %broadcast_in_dim3A_125 = vector.shape_cast %reduce_max3A_124 : vector<75x32xf32> to vector<75x32x1xf32>
    %add3A_126 = arith.addf %broadcast_in_dim3A_87, %broadcast_in_dim3A_106 : vector<75x32x1xf32>
    %add3A_127 = arith.addf %add3A_126, %broadcast_in_dim3A_125 : vector<75x32x1xf32>
    %mul3A_128 = arith.constant 0.333333343 : f32
    %mul3A_129 = vector.broadcast %mul3A_128 : f32 to vector<75x32x1xf32>
    %mul3A_130 = arith.mulf %add3A_127, %mul3A_129 : vector<75x32x1xf32>
    %mul3A_131 = arith.mulf %mul3A_130, %mul3A_83 : vector<75x32x1xf32>
    %reduce_sum3A_132 = arith.constant dense<0.000000e+00> : vector<75x1xf32>
    %reduce_sum3A_133 = vector.multi_reduction <add>, %mul3A_131, %reduce_sum3A_132 [1] : vector<75x32x1xf32> to vector<75x1xf32>
    %broadcast_in_dim3A_134 = vector.shape_cast %reduce_sum3A_133 : vector<75x1xf32> to vector<75x1x1xf32>
    %slice3A_135 = vector.extract_strided_slice %reshape3A {offsets = [0, 0, 125], sizes = [75, 32, 125], strides = [1, 1, 1]} : vector<75x32x625xf32> to vector<75x32x125xf32>
    %reduce_max3A_136 = arith.constant dense<0xFF800000> : vector<75x32xf32>
    %reduce_max3A_137 = vector.multi_reduction <maximumf>, %slice3A_135, %reduce_max3A_136 [2] : vector<75x32x125xf32> to vector<75x32xf32>
    %broadcast_in_dim3A_138 = vector.shape_cast %reduce_max3A_137 : vector<75x32xf32> to vector<75x32x1xf32>
    %eq3A_139 = vector.broadcast %broadcast_in_dim3A_138 : vector<75x32x1xf32> to vector<75x32x125xf32>
    %eq3A_140 = arith.cmpf oeq, %slice3A_135, %eq3A_139 : vector<75x32x125xf32>
    %jit3A_141 = arith.constant 125 : i32
    %broadcast_in_dim3A_142 = vector.shape_cast %iota3A_84 : vector<1x1x125xi32> to vector<1x1x125xi32>
    %broadcast_in_dim3A_143 = vector.broadcast %broadcast_in_dim3A_142 : vector<1x1x125xi32> to vector<75x32x125xi32>
    %broadcast_in_dim3A_144 = vector.broadcast %jit3A_141 : i32 to vector<75x32x125xi32>
    %select_n3A_145 = arith.select %eq3A_140, %broadcast_in_dim3A_143, %broadcast_in_dim3A_144 : vector<75x32x125xi1>, vector<75x32x125xi32>
    %reduce_min3A_146 = arith.constant dense<2147483647> : vector<75x32xi32>
    %reduce_min3A_147 = vector.multi_reduction <minsi>, %select_n3A_145, %reduce_min3A_146 [2] : vector<75x32x125xi32> to vector<75x32xi32>
    %broadcast_in_dim3A_148 = vector.shape_cast %reduce_min3A_147 : vector<75x32xi32> to vector<75x32x1xi32>
    %eq3A_149 = vector.broadcast %iota3A_84 : vector<1x1x125xi32> to vector<75x32x125xi32>
    %eq3A_150 = vector.broadcast %broadcast_in_dim3A_148 : vector<75x32x1xi32> to vector<75x32x125xi32>
    %eq3A_151 = arith.cmpi eq, %eq3A_149, %eq3A_150 : vector<75x32x125xi32>
    %jit3A_152 = arith.constant -3.000000e+38 : f32
    %broadcast_in_dim3A_153 = vector.broadcast %jit3A_152 : f32 to vector<75x32x125xf32>
    %select_n3A_154 = arith.select %eq3A_151, %broadcast_in_dim3A_153, %slice3A_135 : vector<75x32x125xi1>, vector<75x32x125xf32>
    %reduce_max3A_155 = arith.constant dense<0xFF800000> : vector<75x32xf32>
    %reduce_max3A_156 = vector.multi_reduction <maximumf>, %select_n3A_154, %reduce_max3A_155 [2] : vector<75x32x125xf32> to vector<75x32xf32>
    %broadcast_in_dim3A_157 = vector.shape_cast %reduce_max3A_156 : vector<75x32xf32> to vector<75x32x1xf32>
    %eq3A_158 = vector.broadcast %broadcast_in_dim3A_157 : vector<75x32x1xf32> to vector<75x32x125xf32>
    %eq3A_159 = arith.cmpf oeq, %select_n3A_154, %eq3A_158 : vector<75x32x125xf32>
    %jit3A_160 = arith.constant 125 : i32
    %broadcast_in_dim3A_161 = vector.shape_cast %iota3A_84 : vector<1x1x125xi32> to vector<1x1x125xi32>
    %broadcast_in_dim3A_162 = vector.broadcast %broadcast_in_dim3A_161 : vector<1x1x125xi32> to vector<75x32x125xi32>
    %broadcast_in_dim3A_163 = vector.broadcast %jit3A_160 : i32 to vector<75x32x125xi32>
    %select_n3A_164 = arith.select %eq3A_159, %broadcast_in_dim3A_162, %broadcast_in_dim3A_163 : vector<75x32x125xi1>, vector<75x32x125xi32>
    %reduce_min3A_165 = arith.constant dense<2147483647> : vector<75x32xi32>
    %reduce_min3A_166 = vector.multi_reduction <minsi>, %select_n3A_164, %reduce_min3A_165 [2] : vector<75x32x125xi32> to vector<75x32xi32>
    %broadcast_in_dim3A_167 = vector.shape_cast %reduce_min3A_166 : vector<75x32xi32> to vector<75x32x1xi32>
    %eq3A_168 = vector.broadcast %iota3A_84 : vector<1x1x125xi32> to vector<75x32x125xi32>
    %eq3A_169 = vector.broadcast %broadcast_in_dim3A_167 : vector<75x32x1xi32> to vector<75x32x125xi32>
    %eq3A_170 = arith.cmpi eq, %eq3A_168, %eq3A_169 : vector<75x32x125xi32>
    %jit3A_171 = arith.constant -3.000000e+38 : f32
    %broadcast_in_dim3A_172 = vector.broadcast %jit3A_171 : f32 to vector<75x32x125xf32>
    %select_n3A_173 = arith.select %eq3A_170, %broadcast_in_dim3A_172, %select_n3A_154 : vector<75x32x125xi1>, vector<75x32x125xf32>
    %reduce_max3A_174 = arith.constant dense<0xFF800000> : vector<75x32xf32>
    %reduce_max3A_175 = vector.multi_reduction <maximumf>, %select_n3A_173, %reduce_max3A_174 [2] : vector<75x32x125xf32> to vector<75x32xf32>
    %broadcast_in_dim3A_176 = vector.shape_cast %reduce_max3A_175 : vector<75x32xf32> to vector<75x32x1xf32>
    %add3A_177 = arith.addf %broadcast_in_dim3A_138, %broadcast_in_dim3A_157 : vector<75x32x1xf32>
    %add3A_178 = arith.addf %add3A_177, %broadcast_in_dim3A_176 : vector<75x32x1xf32>
    %mul3A_179 = arith.constant 0.333333343 : f32
    %mul3A_180 = vector.broadcast %mul3A_179 : f32 to vector<75x32x1xf32>
    %mul3A_181 = arith.mulf %add3A_178, %mul3A_180 : vector<75x32x1xf32>
    %mul3A_182 = arith.mulf %mul3A_181, %mul3A_83 : vector<75x32x1xf32>
    %reduce_sum3A_183 = arith.constant dense<0.000000e+00> : vector<75x1xf32>
    %reduce_sum3A_184 = vector.multi_reduction <add>, %mul3A_182, %reduce_sum3A_183 [1] : vector<75x32x1xf32> to vector<75x1xf32>
    %broadcast_in_dim3A_185 = vector.shape_cast %reduce_sum3A_184 : vector<75x1xf32> to vector<75x1x1xf32>
    %slice3A_186 = vector.extract_strided_slice %reshape3A {offsets = [0, 0, 250], sizes = [75, 32, 125], strides = [1, 1, 1]} : vector<75x32x625xf32> to vector<75x32x125xf32>
    %reduce_max3A_187 = arith.constant dense<0xFF800000> : vector<75x32xf32>
    %reduce_max3A_188 = vector.multi_reduction <maximumf>, %slice3A_186, %reduce_max3A_187 [2] : vector<75x32x125xf32> to vector<75x32xf32>
    %broadcast_in_dim3A_189 = vector.shape_cast %reduce_max3A_188 : vector<75x32xf32> to vector<75x32x1xf32>
    %eq3A_190 = vector.broadcast %broadcast_in_dim3A_189 : vector<75x32x1xf32> to vector<75x32x125xf32>
    %eq3A_191 = arith.cmpf oeq, %slice3A_186, %eq3A_190 : vector<75x32x125xf32>
    %jit3A_192 = arith.constant 125 : i32
    %broadcast_in_dim3A_193 = vector.shape_cast %iota3A_84 : vector<1x1x125xi32> to vector<1x1x125xi32>
    %broadcast_in_dim3A_194 = vector.broadcast %broadcast_in_dim3A_193 : vector<1x1x125xi32> to vector<75x32x125xi32>
    %broadcast_in_dim3A_195 = vector.broadcast %jit3A_192 : i32 to vector<75x32x125xi32>
    %select_n3A_196 = arith.select %eq3A_191, %broadcast_in_dim3A_194, %broadcast_in_dim3A_195 : vector<75x32x125xi1>, vector<75x32x125xi32>
    %reduce_min3A_197 = arith.constant dense<2147483647> : vector<75x32xi32>
    %reduce_min3A_198 = vector.multi_reduction <minsi>, %select_n3A_196, %reduce_min3A_197 [2] : vector<75x32x125xi32> to vector<75x32xi32>
    %broadcast_in_dim3A_199 = vector.shape_cast %reduce_min3A_198 : vector<75x32xi32> to vector<75x32x1xi32>
    %eq3A_200 = vector.broadcast %iota3A_84 : vector<1x1x125xi32> to vector<75x32x125xi32>
    %eq3A_201 = vector.broadcast %broadcast_in_dim3A_199 : vector<75x32x1xi32> to vector<75x32x125xi32>
    %eq3A_202 = arith.cmpi eq, %eq3A_200, %eq3A_201 : vector<75x32x125xi32>
    %jit3A_203 = arith.constant -3.000000e+38 : f32
    %broadcast_in_dim3A_204 = vector.broadcast %jit3A_203 : f32 to vector<75x32x125xf32>
    %select_n3A_205 = arith.select %eq3A_202, %broadcast_in_dim3A_204, %slice3A_186 : vector<75x32x125xi1>, vector<75x32x125xf32>
    %reduce_max3A_206 = arith.constant dense<0xFF800000> : vector<75x32xf32>
    %reduce_max3A_207 = vector.multi_reduction <maximumf>, %select_n3A_205, %reduce_max3A_206 [2] : vector<75x32x125xf32> to vector<75x32xf32>
    %broadcast_in_dim3A_208 = vector.shape_cast %reduce_max3A_207 : vector<75x32xf32> to vector<75x32x1xf32>
    %eq3A_209 = vector.broadcast %broadcast_in_dim3A_208 : vector<75x32x1xf32> to vector<75x32x125xf32>
    %eq3A_210 = arith.cmpf oeq, %select_n3A_205, %eq3A_209 : vector<75x32x125xf32>
    %jit3A_211 = arith.constant 125 : i32
    %broadcast_in_dim3A_212 = vector.shape_cast %iota3A_84 : vector<1x1x125xi32> to vector<1x1x125xi32>
    %broadcast_in_dim3A_213 = vector.broadcast %broadcast_in_dim3A_212 : vector<1x1x125xi32> to vector<75x32x125xi32>
    %broadcast_in_dim3A_214 = vector.broadcast %jit3A_211 : i32 to vector<75x32x125xi32>
    %select_n3A_215 = arith.select %eq3A_210, %broadcast_in_dim3A_213, %broadcast_in_dim3A_214 : vector<75x32x125xi1>, vector<75x32x125xi32>
    %reduce_min3A_216 = arith.constant dense<2147483647> : vector<75x32xi32>
    %reduce_min3A_217 = vector.multi_reduction <minsi>, %select_n3A_215, %reduce_min3A_216 [2] : vector<75x32x125xi32> to vector<75x32xi32>
    %broadcast_in_dim3A_218 = vector.shape_cast %reduce_min3A_217 : vector<75x32xi32> to vector<75x32x1xi32>
    %eq3A_219 = vector.broadcast %iota3A_84 : vector<1x1x125xi32> to vector<75x32x125xi32>
    %eq3A_220 = vector.broadcast %broadcast_in_dim3A_218 : vector<75x32x1xi32> to vector<75x32x125xi32>
    %eq3A_221 = arith.cmpi eq, %eq3A_219, %eq3A_220 : vector<75x32x125xi32>
    %jit3A_222 = arith.constant -3.000000e+38 : f32
    %broadcast_in_dim3A_223 = vector.broadcast %jit3A_222 : f32 to vector<75x32x125xf32>
    %select_n3A_224 = arith.select %eq3A_221, %broadcast_in_dim3A_223, %select_n3A_205 : vector<75x32x125xi1>, vector<75x32x125xf32>
    %reduce_max3A_225 = arith.constant dense<0xFF800000> : vector<75x32xf32>
    %reduce_max3A_226 = vector.multi_reduction <maximumf>, %select_n3A_224, %reduce_max3A_225 [2] : vector<75x32x125xf32> to vector<75x32xf32>
    %broadcast_in_dim3A_227 = vector.shape_cast %reduce_max3A_226 : vector<75x32xf32> to vector<75x32x1xf32>
    %add3A_228 = arith.addf %broadcast_in_dim3A_189, %broadcast_in_dim3A_208 : vector<75x32x1xf32>
    %add3A_229 = arith.addf %add3A_228, %broadcast_in_dim3A_227 : vector<75x32x1xf32>
    %mul3A_230 = arith.constant 0.333333343 : f32
    %mul3A_231 = vector.broadcast %mul3A_230 : f32 to vector<75x32x1xf32>
    %mul3A_232 = arith.mulf %add3A_229, %mul3A_231 : vector<75x32x1xf32>
    %mul3A_233 = arith.mulf %mul3A_232, %mul3A_83 : vector<75x32x1xf32>
    %reduce_sum3A_234 = arith.constant dense<0.000000e+00> : vector<75x1xf32>
    %reduce_sum3A_235 = vector.multi_reduction <add>, %mul3A_233, %reduce_sum3A_234 [1] : vector<75x32x1xf32> to vector<75x1xf32>
    %broadcast_in_dim3A_236 = vector.shape_cast %reduce_sum3A_235 : vector<75x1xf32> to vector<75x1x1xf32>
    %slice3A_237 = vector.extract_strided_slice %reshape3A {offsets = [0, 0, 375], sizes = [75, 32, 125], strides = [1, 1, 1]} : vector<75x32x625xf32> to vector<75x32x125xf32>
    %reduce_max3A_238 = arith.constant dense<0xFF800000> : vector<75x32xf32>
    %reduce_max3A_239 = vector.multi_reduction <maximumf>, %slice3A_237, %reduce_max3A_238 [2] : vector<75x32x125xf32> to vector<75x32xf32>
    %broadcast_in_dim3A_240 = vector.shape_cast %reduce_max3A_239 : vector<75x32xf32> to vector<75x32x1xf32>
    %eq3A_241 = vector.broadcast %broadcast_in_dim3A_240 : vector<75x32x1xf32> to vector<75x32x125xf32>
    %eq3A_242 = arith.cmpf oeq, %slice3A_237, %eq3A_241 : vector<75x32x125xf32>
    %jit3A_243 = arith.constant 125 : i32
    %broadcast_in_dim3A_244 = vector.shape_cast %iota3A_84 : vector<1x1x125xi32> to vector<1x1x125xi32>
    %broadcast_in_dim3A_245 = vector.broadcast %broadcast_in_dim3A_244 : vector<1x1x125xi32> to vector<75x32x125xi32>
    %broadcast_in_dim3A_246 = vector.broadcast %jit3A_243 : i32 to vector<75x32x125xi32>
    %select_n3A_247 = arith.select %eq3A_242, %broadcast_in_dim3A_245, %broadcast_in_dim3A_246 : vector<75x32x125xi1>, vector<75x32x125xi32>
    %reduce_min3A_248 = arith.constant dense<2147483647> : vector<75x32xi32>
    %reduce_min3A_249 = vector.multi_reduction <minsi>, %select_n3A_247, %reduce_min3A_248 [2] : vector<75x32x125xi32> to vector<75x32xi32>
    %broadcast_in_dim3A_250 = vector.shape_cast %reduce_min3A_249 : vector<75x32xi32> to vector<75x32x1xi32>
    %eq3A_251 = vector.broadcast %iota3A_84 : vector<1x1x125xi32> to vector<75x32x125xi32>
    %eq3A_252 = vector.broadcast %broadcast_in_dim3A_250 : vector<75x32x1xi32> to vector<75x32x125xi32>
    %eq3A_253 = arith.cmpi eq, %eq3A_251, %eq3A_252 : vector<75x32x125xi32>
    %jit3A_254 = arith.constant -3.000000e+38 : f32
    %broadcast_in_dim3A_255 = vector.broadcast %jit3A_254 : f32 to vector<75x32x125xf32>
    %select_n3A_256 = arith.select %eq3A_253, %broadcast_in_dim3A_255, %slice3A_237 : vector<75x32x125xi1>, vector<75x32x125xf32>
    %reduce_max3A_257 = arith.constant dense<0xFF800000> : vector<75x32xf32>
    %reduce_max3A_258 = vector.multi_reduction <maximumf>, %select_n3A_256, %reduce_max3A_257 [2] : vector<75x32x125xf32> to vector<75x32xf32>
    %broadcast_in_dim3A_259 = vector.shape_cast %reduce_max3A_258 : vector<75x32xf32> to vector<75x32x1xf32>
    %eq3A_260 = vector.broadcast %broadcast_in_dim3A_259 : vector<75x32x1xf32> to vector<75x32x125xf32>
    %eq3A_261 = arith.cmpf oeq, %select_n3A_256, %eq3A_260 : vector<75x32x125xf32>
    %jit3A_262 = arith.constant 125 : i32
    %broadcast_in_dim3A_263 = vector.shape_cast %iota3A_84 : vector<1x1x125xi32> to vector<1x1x125xi32>
    %broadcast_in_dim3A_264 = vector.broadcast %broadcast_in_dim3A_263 : vector<1x1x125xi32> to vector<75x32x125xi32>
    %broadcast_in_dim3A_265 = vector.broadcast %jit3A_262 : i32 to vector<75x32x125xi32>
    %select_n3A_266 = arith.select %eq3A_261, %broadcast_in_dim3A_264, %broadcast_in_dim3A_265 : vector<75x32x125xi1>, vector<75x32x125xi32>
    %reduce_min3A_267 = arith.constant dense<2147483647> : vector<75x32xi32>
    %reduce_min3A_268 = vector.multi_reduction <minsi>, %select_n3A_266, %reduce_min3A_267 [2] : vector<75x32x125xi32> to vector<75x32xi32>
    %broadcast_in_dim3A_269 = vector.shape_cast %reduce_min3A_268 : vector<75x32xi32> to vector<75x32x1xi32>
    %eq3A_270 = vector.broadcast %iota3A_84 : vector<1x1x125xi32> to vector<75x32x125xi32>
    %eq3A_271 = vector.broadcast %broadcast_in_dim3A_269 : vector<75x32x1xi32> to vector<75x32x125xi32>
    %eq3A_272 = arith.cmpi eq, %eq3A_270, %eq3A_271 : vector<75x32x125xi32>
    %jit3A_273 = arith.constant -3.000000e+38 : f32
    %broadcast_in_dim3A_274 = vector.broadcast %jit3A_273 : f32 to vector<75x32x125xf32>
    %select_n3A_275 = arith.select %eq3A_272, %broadcast_in_dim3A_274, %select_n3A_256 : vector<75x32x125xi1>, vector<75x32x125xf32>
    %reduce_max3A_276 = arith.constant dense<0xFF800000> : vector<75x32xf32>
    %reduce_max3A_277 = vector.multi_reduction <maximumf>, %select_n3A_275, %reduce_max3A_276 [2] : vector<75x32x125xf32> to vector<75x32xf32>
    %broadcast_in_dim3A_278 = vector.shape_cast %reduce_max3A_277 : vector<75x32xf32> to vector<75x32x1xf32>
    %add3A_279 = arith.addf %broadcast_in_dim3A_240, %broadcast_in_dim3A_259 : vector<75x32x1xf32>
    %add3A_280 = arith.addf %add3A_279, %broadcast_in_dim3A_278 : vector<75x32x1xf32>
    %mul3A_281 = arith.constant 0.333333343 : f32
    %mul3A_282 = vector.broadcast %mul3A_281 : f32 to vector<75x32x1xf32>
    %mul3A_283 = arith.mulf %add3A_280, %mul3A_282 : vector<75x32x1xf32>
    %mul3A_284 = arith.mulf %mul3A_283, %mul3A_83 : vector<75x32x1xf32>
    %reduce_sum3A_285 = arith.constant dense<0.000000e+00> : vector<75x1xf32>
    %reduce_sum3A_286 = vector.multi_reduction <add>, %mul3A_284, %reduce_sum3A_285 [1] : vector<75x32x1xf32> to vector<75x1xf32>
    %broadcast_in_dim3A_287 = vector.shape_cast %reduce_sum3A_286 : vector<75x1xf32> to vector<75x1x1xf32>
    %slice3A_288 = vector.extract_strided_slice %reshape3A {offsets = [0, 0, 500], sizes = [75, 32, 125], strides = [1, 1, 1]} : vector<75x32x625xf32> to vector<75x32x125xf32>
    %reduce_max3A_289 = arith.constant dense<0xFF800000> : vector<75x32xf32>
    %reduce_max3A_290 = vector.multi_reduction <maximumf>, %slice3A_288, %reduce_max3A_289 [2] : vector<75x32x125xf32> to vector<75x32xf32>
    %broadcast_in_dim3A_291 = vector.shape_cast %reduce_max3A_290 : vector<75x32xf32> to vector<75x32x1xf32>
    %eq3A_292 = vector.broadcast %broadcast_in_dim3A_291 : vector<75x32x1xf32> to vector<75x32x125xf32>
    %eq3A_293 = arith.cmpf oeq, %slice3A_288, %eq3A_292 : vector<75x32x125xf32>
    %jit3A_294 = arith.constant 125 : i32
    %broadcast_in_dim3A_295 = vector.shape_cast %iota3A_84 : vector<1x1x125xi32> to vector<1x1x125xi32>
    %broadcast_in_dim3A_296 = vector.broadcast %broadcast_in_dim3A_295 : vector<1x1x125xi32> to vector<75x32x125xi32>
    %broadcast_in_dim3A_297 = vector.broadcast %jit3A_294 : i32 to vector<75x32x125xi32>
    %select_n3A_298 = arith.select %eq3A_293, %broadcast_in_dim3A_296, %broadcast_in_dim3A_297 : vector<75x32x125xi1>, vector<75x32x125xi32>
    %reduce_min3A_299 = arith.constant dense<2147483647> : vector<75x32xi32>
    %reduce_min3A_300 = vector.multi_reduction <minsi>, %select_n3A_298, %reduce_min3A_299 [2] : vector<75x32x125xi32> to vector<75x32xi32>
    %broadcast_in_dim3A_301 = vector.shape_cast %reduce_min3A_300 : vector<75x32xi32> to vector<75x32x1xi32>
    %eq3A_302 = vector.broadcast %iota3A_84 : vector<1x1x125xi32> to vector<75x32x125xi32>
    %eq3A_303 = vector.broadcast %broadcast_in_dim3A_301 : vector<75x32x1xi32> to vector<75x32x125xi32>
    %eq3A_304 = arith.cmpi eq, %eq3A_302, %eq3A_303 : vector<75x32x125xi32>
    %jit3A_305 = arith.constant -3.000000e+38 : f32
    %broadcast_in_dim3A_306 = vector.broadcast %jit3A_305 : f32 to vector<75x32x125xf32>
    %select_n3A_307 = arith.select %eq3A_304, %broadcast_in_dim3A_306, %slice3A_288 : vector<75x32x125xi1>, vector<75x32x125xf32>
    %reduce_max3A_308 = arith.constant dense<0xFF800000> : vector<75x32xf32>
    %reduce_max3A_309 = vector.multi_reduction <maximumf>, %select_n3A_307, %reduce_max3A_308 [2] : vector<75x32x125xf32> to vector<75x32xf32>
    %broadcast_in_dim3A_310 = vector.shape_cast %reduce_max3A_309 : vector<75x32xf32> to vector<75x32x1xf32>
    %eq3A_311 = vector.broadcast %broadcast_in_dim3A_310 : vector<75x32x1xf32> to vector<75x32x125xf32>
    %eq3A_312 = arith.cmpf oeq, %select_n3A_307, %eq3A_311 : vector<75x32x125xf32>
    %jit3A_313 = arith.constant 125 : i32
    %broadcast_in_dim3A_314 = vector.shape_cast %iota3A_84 : vector<1x1x125xi32> to vector<1x1x125xi32>
    %broadcast_in_dim3A_315 = vector.broadcast %broadcast_in_dim3A_314 : vector<1x1x125xi32> to vector<75x32x125xi32>
    %broadcast_in_dim3A_316 = vector.broadcast %jit3A_313 : i32 to vector<75x32x125xi32>
    %select_n3A_317 = arith.select %eq3A_312, %broadcast_in_dim3A_315, %broadcast_in_dim3A_316 : vector<75x32x125xi1>, vector<75x32x125xi32>
    %reduce_min3A_318 = arith.constant dense<2147483647> : vector<75x32xi32>
    %reduce_min3A_319 = vector.multi_reduction <minsi>, %select_n3A_317, %reduce_min3A_318 [2] : vector<75x32x125xi32> to vector<75x32xi32>
    %broadcast_in_dim3A_320 = vector.shape_cast %reduce_min3A_319 : vector<75x32xi32> to vector<75x32x1xi32>
    %eq3A_321 = vector.broadcast %iota3A_84 : vector<1x1x125xi32> to vector<75x32x125xi32>
    %eq3A_322 = vector.broadcast %broadcast_in_dim3A_320 : vector<75x32x1xi32> to vector<75x32x125xi32>
    %eq3A_323 = arith.cmpi eq, %eq3A_321, %eq3A_322 : vector<75x32x125xi32>
    %jit3A_324 = arith.constant -3.000000e+38 : f32
    %broadcast_in_dim3A_325 = vector.broadcast %jit3A_324 : f32 to vector<75x32x125xf32>
    %select_n3A_326 = arith.select %eq3A_323, %broadcast_in_dim3A_325, %select_n3A_307 : vector<75x32x125xi1>, vector<75x32x125xf32>
    %reduce_max3A_327 = arith.constant dense<0xFF800000> : vector<75x32xf32>
    %reduce_max3A_328 = vector.multi_reduction <maximumf>, %select_n3A_326, %reduce_max3A_327 [2] : vector<75x32x125xf32> to vector<75x32xf32>
    %broadcast_in_dim3A_329 = vector.shape_cast %reduce_max3A_328 : vector<75x32xf32> to vector<75x32x1xf32>
    %add3A_330 = arith.addf %broadcast_in_dim3A_291, %broadcast_in_dim3A_310 : vector<75x32x1xf32>
    %add3A_331 = arith.addf %add3A_330, %broadcast_in_dim3A_329 : vector<75x32x1xf32>
    %mul3A_332 = arith.constant 0.333333343 : f32
    %mul3A_333 = vector.broadcast %mul3A_332 : f32 to vector<75x32x1xf32>
    %mul3A_334 = arith.mulf %add3A_331, %mul3A_333 : vector<75x32x1xf32>
    %mul3A_335 = arith.mulf %mul3A_334, %mul3A_83 : vector<75x32x1xf32>
    %reduce_sum3A_336 = arith.constant dense<0.000000e+00> : vector<75x1xf32>
    %reduce_sum3A_337 = vector.multi_reduction <add>, %mul3A_335, %reduce_sum3A_336 [1] : vector<75x32x1xf32> to vector<75x1xf32>
    %broadcast_in_dim3A_338 = vector.shape_cast %reduce_sum3A_337 : vector<75x1xf32> to vector<75x1x1xf32>
    %concatenate3A = tpu.concatenate %broadcast_in_dim3A_134, %broadcast_in_dim3A_185, %broadcast_in_dim3A_236, %broadcast_in_dim3A_287, %broadcast_in_dim3A_338 in 2 : vector<75x1x1xf32>, vector<75x1x1xf32>, vector<75x1x1xf32>, vector<75x1x1xf32>, vector<75x1x1xf32> -> vector<75x1x5xf32>
    %mul3A_339 = arith.constant 1.000000e+01 : f32
    %mul3A_340 = vector.broadcast %mul3A_339 : f32 to vector<75x1x5xf32>
    %mul3A_341 = arith.mulf %concatenate3A, %mul3A_340 : vector<75x1x5xf32>
    %reduce_max3A_342 = arith.constant dense<0xFF800000> : vector<75x1xf32>
    %reduce_max3A_343 = vector.multi_reduction <maximumf>, %mul3A_341, %reduce_max3A_342 [2] : vector<75x1x5xf32> to vector<75x1xf32>
    %broadcast_in_dim3A_344 = vector.shape_cast %reduce_max3A_343 : vector<75x1xf32> to vector<75x1x1xf32>
    %sub3A = vector.broadcast %broadcast_in_dim3A_344 : vector<75x1x1xf32> to vector<75x1x5xf32>
    %sub3A_345 = arith.subf %mul3A_341, %sub3A : vector<75x1x5xf32>
    %exp3A = math.exp %sub3A_345 : vector<75x1x5xf32>
    %reduce_sum3A_346 = arith.constant dense<0.000000e+00> : vector<75x1xf32>
    %reduce_sum3A_347 = vector.multi_reduction <add>, %exp3A, %reduce_sum3A_346 [2] : vector<75x1x5xf32> to vector<75x1xf32>
    %broadcast_in_dim3A_348 = vector.shape_cast %reduce_sum3A_347 : vector<75x1xf32> to vector<75x1x1xf32>
    %log3A = math.log %broadcast_in_dim3A_348 : vector<75x1x1xf32>
    %add3A_349 = arith.addf %broadcast_in_dim3A_344, %log3A : vector<75x1x1xf32>
    %sub3A_350 = vector.broadcast %add3A_349 : vector<75x1x1xf32> to vector<75x1x5xf32>
    %sub3A_351 = arith.subf %mul3A_341, %sub3A_350 : vector<75x1x5xf32>
    %broadcast_in_dim3A_352 = arith.constant 0.000000e+00 : f32
    %broadcast_in_dim3A_353 = vector.broadcast %broadcast_in_dim3A_352 : f32 to vector<1x1xf32>
    %mul3A_354 = arith.mulf %sub3A_351, %get3A_14 : vector<75x1x5xf32>
    %reduce_sum3A_355 = vector.shape_cast %mul3A_354 : vector<75x1x5xf32> to vector<1x75x1x5xf32>
    %reduce_sum3A_356 = arith.constant dense<0.000000e+00> : vector<1xf32>
    %reduce_sum3A_357 = vector.multi_reduction <add>, %reduce_sum3A_355, %reduce_sum3A_356 [1, 2, 3] : vector<1x75x1x5xf32> to vector<1xf32>
    %reduce_sum3A_358 = vector.shape_cast %reduce_sum3A_357 : vector<1xf32> to vector<1x1x1x1xf32>
    %reduce_sum3A_359 = vector.extract %reduce_sum3A_358[0, 0, 0, 0] : f32 from vector<1x1x1x1xf32>
    %sub3A_360 = vector.broadcast %reduce_sum3A_359 : f32 to vector<1x1xf32>
    %sub3A_361 = arith.subf %broadcast_in_dim3A_353, %sub3A_360 : vector<1x1xf32>
    %eq3A_362 = arith.constant 0 : i32
    %eq3A_363 = arith.cmpi eq, %arg0, %eq3A_362 : i32
    %convert_element_type3A_364 = arith.extui %eq3A_363 : i1 to i32
    %cond3A = arith.constant 0 : i32
    %cond3A_365 = arith.cmpi ne, %convert_element_type3A_364, %cond3A : i32
    scf.if %cond3A_365 {
      %broadcast_in_dim3A_372 = arith.constant 0.000000e+00 : f32
      %broadcast_in_dim3A_373 = vector.broadcast %broadcast_in_dim3A_372 : f32 to vector<1x1xf32>
      %swap3A_374 = arith.constant 0 : index
      %swap3A_375 = arith.constant 0 : index
      %swap3A_376 = vector.load %arg4[%swap3A_374, %swap3A_375] : memref<1x1xf32, #tpu.memory_space<vmem>>, vector<1x1xf32>
      tpu.vector_store %arg4[%swap3A_374, %swap3A_375], %broadcast_in_dim3A_373 {strides = array<i32>} : memref<1x1xf32, #tpu.memory_space<vmem>>, vector<1x1xf32>,
    } else {
    }
    %get3A_366 = arith.constant 0 : index
    %get3A_367 = arith.constant 0 : index
    %get3A_368 = vector.load %arg4[%get3A_366, %get3A_367] : memref<1x1xf32, #tpu.memory_space<vmem>>, vector<1x1xf32>
    %add3A_369 = arith.addf %get3A_368, %sub3A_361 : vector<1x1xf32>
    %swap3A = arith.constant 0 : index
    %swap3A_370 = arith.constant 0 : index
    %swap3A_371 = vector.load %arg4[%swap3A, %swap3A_370] : memref<1x1xf32, #tpu.memory_space<vmem>>, vector<1x1xf32>
    tpu.vector_store %arg4[%swap3A, %swap3A_370], %add3A_369 {strides = array<i32>} : memref<1x1xf32, #tpu.memory_space<vmem>>, vector<1x1xf32>,
    return
  }
  func.func @transform_0(%arg0: i32) -> (i32, i32, i32) {
    %c0_i32 = arith.constant 0 : i32
    %c0_i32_0 = arith.constant 0 : i32
    %c0_i32_1 = arith.constant 0 : i32
    return %arg0, %c0_i32, %c0_i32_0 : i32, i32, i32
  }
  func.func @transform_1(%arg0: i32) -> (i32, i32, i32) {
    %c0_i32 = arith.constant 0 : i32
    %c0_i32_0 = arith.constant 0 : i32
    %c0_i32_1 = arith.constant 0 : i32
    return %arg0, %c0_i32, %c0_i32_0 : i32, i32, i32
  }
  func.func @transform_2(%arg0: i32) -> (i32, i32, i32, i32) {
    %c0_i32 = arith.constant 0 : i32
    %c0_i32_0 = arith.constant 0 : i32
    %c0_i32_1 = arith.constant 0 : i32
    %c0_i32_2 = arith.constant 0 : i32
    return %arg0, %c0_i32, %c0_i32_0, %c0_i32_1 : i32, i32, i32, i32
  }
  func.func @transform_3(%arg0: i32) -> (i32, i32) {
    %c0_i32 = arith.constant 0 : i32
    %c0_i32_0 = arith.constant 0 : i32
    %c0_i32_1 = arith.constant 0 : i32
    return %c0_i32, %c0_i32_0 : i32, i32
  }
}

</mosaic_0001>

<sc_bundles>
// kernel: sparse-core-data-format-call.cloned.1.call-start
scs
called_computation_lowered:
.L_overlay_start_0:
0x0: {  	s2 =	sld [smem:$0x3FD9]  }
0x1: {  	s3 =	sld [smem:$0x3FFE];
	_ =	sdelay $0x1  }
0x2: {  	s1 =	srdreg.scid  }
0x3: {  	s0 =	sand.u32 $0x1, s1  }
0x4: {  	s18 =	sshll.u32 s0, $0xA;
	s2 =	sadd.s32 s3, s2  }
0x5: {  	s2 =	sadd.s32 s2, s18  }
0x6: {  	[smem:$0x3FC5] =	sst s2  }
0x7: {  	_ = 	snop  }
0x8: {  	s2 =	sld [smem:$0x3FC8];
	(tm) =	ssettm $0x1  }
0x9: {  	s19 =	sld [smem:$0x3FFB];
	_ =	sdelay $0x3  }
0xa: {  	_ =	strace s19  }
0xb: {  	s3 =	sld [smem:$0x3FFC];
	_ =	sdelay $0x3  }
0xc: {  	_ =	strace s3  }
0xd: {  	s3 =	sld [smem:$0x3FFD];
	_ =	sdelay $0x3  }
0xe: {  	_ =	strace s3  }
0xf: {  	_ =	strace $0x8FFFFFFF  }
0x10: {  	s20 =	sld [smem:$0x3FDB];
	_ =	sdelay $0x1  }
0x11: {  	s4 =	simm.s32 $_scs_section_size  }
0x12: {  	s5 =	simm.s32 $_size__tile_overlayer_lowered;
	s6 =	simm.s32 $_tile_overlayer_lowered  }
0x13: {  	s23 =	simm.s32 $0x1BFF;
	s22 =	sshll.u32 s6, $0x1;
	s3 =	sadd.s32 s4, s20  }
0x14: {  	s7 =	simm.s32 $0x0;
	s21 =	sshll.u32 s5, $0x1;
	s5 =	sadd.s32 s22, s3  }
0x15: {  	[timem:s7], [sflag:s23] =	dma.local [hbm:s5], s21  }
0x16: {  	_ =	swait.ge [sflag:s23], s21  }
0x17: {  	s4 =	ssub.s32 $0x0, s21;
	[sflag:s23] =	ssyncset.done $0x0  }
0x18: {  	[sflag:s23] =	ssyncadd.s32 s4;
	_ =	sdelay $0x1  }
0x19: {  	s24 =	simm.s32 $0x1B8B  }
0x1a: {  	_ =	swait.ge [sflag:s24], $0x1  }
0x1b: {  	[sflag:s24] =	ssyncset.done $0x0  }
0x1c: {  	s26 =	simm.s32 $0x1B8E;
	s25 =	sld [smem:$0x3FFE];
	[sflag:s24] =	ssyncadd.s32 $0xFFFFFFFF  }
0x1d: {  	s27 =	simm.s32 $execute0_lowered;
	[smem:$0x3FD2] =	sst s26  }
0x1e: {  	s5 =	sshll.u32 s27, $0x1;
	_ =	strace $0x80000046;
	[dreg:$0x1] =	wrdreg $0xFFFFFFFF  }
0x1f: {  	s28 =	simm.s32 $_size_execute0_lowered;
	s3 =	sadd.s32 s3, s5;
	[dreg:$0x0] =	wrdreg $0x0  }
0x20: {  	s5 =	sshll.u32 s28, $0x1;
	[dreg:$0x2] =	wrdreg s3  }
0x21: {  	[dreg:$0x3] =	wrdreg s5  }
0x22: {  	[dreg:$0x4] =	wrdreg $0xC0  }
0x23: {  	_ =	task [dreg:s7], $0x5FFFF  }
0x24: {  	[dreg:$0x1] =	wrdreg $0xFFFFFFFF  }
0x25: {  	[dreg:$0x0] =	wrdreg $0x60  }
0x26: {  	[dreg:$0x2] =	wrdreg s2  }
0x27: {  	[dreg:$0x3] =	wrdreg s25  }
0x28: {  	[dreg:$0x4] =	wrdreg $0x9  }
0x29: {  	_ =	task.clear_ibuf [dreg:s7], $0x5FFFF;
	_ =	strace $0x90000046  }
0x2a: {  	s29 =	simm.s32 $0x9;
	_ =	strace $0x80000048  }
0x2b: {  	_ =	swait.ge [sflag:s29], $0x1  }
0x2c: {  	[sflag:s29] =	ssyncadd.s32 $0xFFFFFFFF  }
0x2d: {  	_ =	strace $0x90000048  }
0x2e: {  	_ =	sfence  }
0x2f: {  	s30 =	sld [smem:$0x0];
	_ =	sdelay $0x2  }
0x30: {  	s31 =	sshll.u32 s1, $0xD;
	s1 =	sshrl.u32 s1, $0x2  }
0x31: {  	s3 =	sand.u32 $0x4000, s31;
	s1 =	sadd.s32 s1, s30  }
0x32: {  	s0 =	sor.u32 s3, s0;
	s1 =	sshll.u32 s1, $0x11  }
0x33: {  	s0 =	sor.u32 s1, s0  }
0x34: {  	s0 =	sadd.s32 $0x8F2B, s0  }
0x35: {  	[sflag:s0] =	ssyncadd.remote.s32 $0x1  }
0x36: {  	_ =	sfence.sel $0xFFFF  }
0x37: {  	[dreg:$0x0] =	wrdreg $0xFFFFFFFF;
	(pc) =	sbr.abs _section_cstart, $3  }
0x38: {  	[dreg:$0x1] =	wrdreg $0xFFFFFFFF  }
0x39: {  	_ =	task.clear_ibuf [dreg:s7], $0x2FFFF;
	_ =	strace $0x9FFFFFFF  }
0x3a: {  	(tm) =	ssettm $0x7FFFFFFF  }
0x3b: {  	_ =	shalt  }
tec
execute0_lowered:
.L_overlay_start_1:
0x0: {  	(tag) =	ssettag $0x1  }
0x1: {  	s2 =	rddreg [dreg:$0x0]  }
0x2: {  	s0 =	srdreg.scid;
	s6 =	rddreg [dreg:$0x1]  }
0x3: {  	s7 =	simm.s32 $0x2;
	s17 =	simm.s32 $0x0;
	s8 =	simm.s32 $0x177000  }
0x4: {  	s9 =	simm.s32 $0x0;
	s15 =	simm.s32 $0x0;
	s1 =	sshll.u32 s0, $0x4  }
0x5: {  	s18 =	simm.s32 $0x0;
	s0 =	stileid.u32;
	s1 =	sand.u32 $0x10, s1  }
0x6: {  	s16 =	simm.s32 $0x0;
	s10 =	simm.s32 $0x0;
	s3 =	sor.u32 s0, s1  }
.Ltmp0:
0x7: {  	s11 =	simm.s32 $0x0;
	s4 =	ssub.s32 $0x6A, s3;
	(pc) =	sbr.rel .LBB1_1-.Ltmp0, $4  }
0x8: {  	s12 =	simm.s32 $0x0;
	s1 =	rddreg [dreg:$0x2];
	s5 =	sshrl.u32 s4, $0x5  }
0x9: {  	_ =	strace $0x80000047;
	s4 =	simm.s32 $0x1;
	s5 =	smul.u32 $0x7D, s5  }
0xa: {  	s14 =	simm.s32 $0x0;
	s6 =	sadd.s32 $0x800, s6;
	[sflag:s4] =	ssyncpa.u1 $0x0  }
0xb: {  	s13 =	smov.u32 s3;
	[sflag:s7] =	ssyncpa.u1 $0x0;
	s7 =	sadd.s32 $0x1, s5  }
.LBB1_4:
0xc: {  	_ =	sdelay $0x2  }
0xd: {  	s22 =	sshrl.u32 s18, $0x3  }
0xe: {  	s23 =	sshll.u32 s17, $0x3;
	[tilespmem:v0+s21+$0xFFFFFFD0 ss:$0x1] =	vst.idx.msk $0xffff, v7;
	s22 =	smul.u32 $0x1400, s22  }
0xf: {  	s27 =	sshll.u32 s18, $0x7;
	v56 =	vld.idx.msk [tilespmem:v1+s20+$0x0 ss:$0x1], $0xffff;
	[tilespmem:v0+s21+$0xFFFFFFE0 ss:$0x1] =	vst.idx.msk $0xffff, v5;
	s23 =	sand.u32 $0xFFFFFC00, s23  }
0x10: {  	v57 =	vld.idx.msk [tilespmem:v1+s20+$0xFFFFFF90 ss:$0x1], $0xffff;
	[tilespmem:v0+s21+$0xFFFFFFF0 ss:$0x1] =	vst.idx.msk $0xffff, v4;
	s18 =	sand.u32 $0x380, s27;
	s22 =	sadd.s32 s22, s23  }
0x11: {  	s28 =	sand.u32 $0x7F, s17;
	v58 =	vld.idx.msk [tilespmem:v1+s20+$0xFFFFFFA0 ss:$0x1], $0xffff;
	[tilespmem:v0+s21+$0x0 ss:$0x1] =	vst.idx.msk $0xffff, v2;
	s18 =	sor.u32 s18, s22  }
0x12: {  	v59 =	vld.idx.msk [tilespmem:v1+s20+$0xFFFFFFB0 ss:$0x1], $0xffff;
	[tilespmem:v0+s21+$0x10 ss:$0x1] =	vst.idx.msk $0xffff, v3;
	s17 =	sor.u32 s28, s18  }
0x13: {  	[tilespmem:v0+s21+$0x20 ss:$0x1] =	vst.idx.msk $0xffff, v6;
	v60 =	vld.idx.msk [tilespmem:v1+s20+$0xFFFFFFC0 ss:$0x1], $0xffff;
	s29 =	smulhi.u32 $0xCCCCCCCD, s17  }
0x14: {  	v61 =	vld.idx.msk [tilespmem:v1+s20+$0xFFFFFFD0 ss:$0x1], $0xffff;
	[tilespmem:v0+s20+$0x30 ss:$0x1] =	vst.idx.msk $0xffff, v56;
	s18 =	smulhi.u32 $0xCCCCCCCD, s18  }
0x15: {  	v62 =	vld.idx.msk [tilespmem:v1+s20+$0xFFFFFFE0 ss:$0x1], $0xffff;
	s16 =	smul.u32 $0xA00, s16;
	[tilespmem:v0+s20+$0xFFFFFFC0 ss:$0x1] =	vst.idx.msk $0xffff, v57;
	s30 =	sshrl.u32 s29, $0x9  }
0x16: {  	v63 =	vld.idx.msk [tilespmem:v1+s20+$0xFFFFFFF0 ss:$0x1], $0xffff;
	[tilespmem:v0+s20+$0xFFFFFFD0 ss:$0x1] =	vst.idx.msk $0xffff, v58;
	s18 =	sshrl.u32 s18, $0x9;
	s21 =	smul.u32 $0x280, s30  }
0x17: {  	s15 =	smul.u32 $0x2EE00, s15;
	[tilespmem:v0+s20+$0xFFFFFFE0 ss:$0x1] =	vst.idx.msk $0xffff, v59;
	s18 =	sand.u32 $0x1F, s18  }
0x18: {  	s16 =	sadd.s32 s6, s16;
	[tilespmem:v0+s20+$0xFFFFFFF0 ss:$0x1] =	vst.idx.msk $0xffff, v60;
	s18 =	smul.u32 $0x50, s18;
	s17 =	ssub.s32 s17, s21  }
0x19: {  	s15 =	sadd.s32 s15, s16;
	[tilespmem:v0+s20+$0x0 ss:$0x1] =	vst.idx.msk $0xffff, v61;
	s31 =	sand.u32 $0x7, s17  }
0x1a: {  	[tilespmem:v0+s20+$0x10 ss:$0x1] =	vst.idx.msk $0xffff, v62;
	s15 =	sadd.s32 s18, s15;
	s17 =	sshrl.u32 s17, $0x3;
	s16 =	sshll.u32 s31, $0x12  }
0x1b: {  	[tilespmem:v0+s20+$0x20 ss:$0x1] =	vst.idx.msk $0xffff, v63;
	s15 =	sadd.s32 s17, s15;
	s16 =	sor.u32 $0x80, s16  }
0x1c: {  	[hbm4b:s15+s16] =	stream.strided.scatter [tilespmem:s19], [sflag:$0x2], $0x400, s8, s16, $0x38;
	[tilespmem:$0x1000] =	vst v63  }
.LBB1_5:
0x1d: {  	s19 =	sadd.s32 $0x80, s10  }
0x1e: {  	s15 =	sadd.s32 $0x8, s11;
	s20 =	smov.u32 s11;
	p1 =	sgt.s32 s19, $0x27F  }
0x1f: {  	s20 =	smov.u32 @p1 s15  }
0x20: {  	s15 =	simm.s32 $0x1;
	p2 =	sgt.s32 s20, $0x7  }
0x21: {  	s15 =	simm.s32 @!p2 $0x0  }
0x22: {  	s21 =	sadd.s32 s15, s12  }
0x23: {  	s22 =	smov.u32 s13;
	s15 =	sadd.s32 $0x20, s13;
	p3 =	sgt.s32 s21, $0x18  }
0x24: {  	p0 =	slt.u32 s14, $0x2;
	s22 =	smov.u32 @p3 s15  }
0x25: {  	s17 =	smov.u32 s10;
	s19 =	simm.s32 @p1 $0x0;
	p1 =	sgt.s32 s22, $0x4A  }
0x26: {  	s23 =	simm.s32 @!p0 $0x2;
	s22 =	smov.u32 @p1 s3;
	p1 =	sne.s32 s14, s7  }
.Ltmp1:
0x27: {  	s18 =	smov.u32 s12;
	_ =	swait.ge @!p0 [sflag:s23], $0x400;
	(pc) =	sbr.rel @!p1 .LBB1_6-.Ltmp1, $4  }
0x28: {  	s16 =	smov.u32 s13;
	s9 =	sadd.s32 $0x400, s9;
	[sflag:s23] =	ssyncset.done @!p0 $0x0  }
0x29: {  	s10 =	smov.u32 s19;
	s20 =	simm.s32 @p2 $0x0;
	[sflag:s23] =	ssyncadd.s32 @!p0 $0xFFFFFC00  }
0x2a: {  	s21 =	simm.s32 @p3 $0x0;
	s15 =	smov.u32 s11;
	s11 =	smov.u32 s20  }
0x2b: {  	s12 =	smov.u32 s21;
	s14 =	sadd.s32 $0x1, s14;
	s13 =	smov.u32 s22  }
.LBB1_1:
0x2c: {  	p0 =	sge.u32 s14, s5  }
0x2d: {  	s19 =	sshrl.u32 @!p0 s11, $0x3  }
0x2e: {  	s20 =	sshll.u32 @!p0 s10, $0x3;
	s19 =	smul.u32 @!p0 $0x1400, s19  }
0x2f: {  	s21 =	sshll.u32 @!p0 s11, $0x7;
	s20 =	sand.u32 @!p0 $0xFFFFFC00, s20  }
0x30: {  	s19 =	sadd.s32 @!p0 s19, s20;
	s20 =	sand.u32 @!p0 $0x380, s21  }
0x31: {  	s21 =	sand.u32 @!p0 $0x7F, s10;
	s19 =	sor.u32 @!p0 s20, s19  }
0x32: {  	s20 =	sor.u32 @!p0 s21, s19;
	s19 =	smulhi.u32 @!p0 $0xCCCCCCCD, s19  }
0x33: {  	s21 =	smulhi.u32 @!p0 $0xCCCCCCCD, s20  }
0x34: {  	s22 =	smul.u32 @!p0 $0x3E80, s13  }
0x35: {  	s23 =	smul.u32 @!p0 $0x280, s12;
	s19 =	sshrl.u32 @!p0 s19, $0x9;
	s21 =	sshrl.u32 @!p0 s21, $0x9  }
0x36: {  	s19 =	sand.u32 @!p0 $0x7, s19;
	s21 =	smul.u32 @!p0 $0x280, s21  }
0x37: {  	s31 =	sadd.s32 $0xFFFFFFFF, s14;
	s22 =	sadd.s32 @!p0 s2, s22;
	s19 =	smul.u32 @!p0 $0x50, s19  }
0x38: {  	s24 =	sxor.u32 @!p0 $0xFFFFFFFF, s14;
	s20 =	ssub.s32 @!p0 s20, s21;
	s21 =	sadd.s32 @!p0 s23, s22  }
0x39: {  	s22 =	sshll.u32 @!p0 s24, $0xA;
	s23 =	sshrl.u32 @!p0 s20, $0x3;
	s19 =	sadd.s32 @!p0 s19, s21  }
0x3a: {  	s21 =	sand.u32 @!p0 $0x400, s22;
	s20 =	sand.u32 @!p0 $0x7, s20;
	s19 =	sadd.s32 @!p0 s23, s19  }
0x3b: {  	[tilespmem:s21], [sflag:$0x1] =	stream.linear.gather @!p0 [hbm4b:s19+s20], $0x400, $0x38;
	[tilespmem:$0x1000] =	vst v63  }
0x3c: {  	p0 =	sge.u32 s31, s5  }
.Ltmp2:
0x3d: {  	_ = 	snop;
	(pc) =	sbr.rel @p0 .LBB1_5-.Ltmp2, $1  }
0x3e: {  	_ =	sdelay $0x3  }
0x3f: {  	s19 =	sand.u32 $0x400, s9  }
0x40: {  	s20 =	sor.u32 $0x70, s19  }
0x41: {  	v1 =	vmov s20;
	_ =	sdelay $0x1  }
0x42: {  	_ =	swait.ge [sflag:s4], $0x400  }
0x43: {  	[sflag:s4] =	ssyncset.done $0x0  }
0x44: {  	s21 =	simm.s32 $0x0;
	[sflag:s4] =	ssyncadd.s32 $0xFFFFFC00  }
0x45: {  	s19 =	sor.u32 $0x840, s19;
	v6 =	vld.idx.msk [tilespmem:v1+s21+$0x0 ss:$0x1], $0xffff  }
0x46: {  	v0 =	vmov s19;
	v8 =	vld.idx.msk [tilespmem:v1+s21+$0xFFFFFF90 ss:$0x1], $0xffff  }
0x47: {  	v7 =	vld.idx.msk [tilespmem:v1+s21+$0xFFFFFFA0 ss:$0x1], $0xffff  }
0x48: {  	v5 =	vld.idx.msk [tilespmem:v1+s21+$0xFFFFFFB0 ss:$0x1], $0xffff  }
0x49: {  	v4 =	vld.idx.msk [tilespmem:v1+s21+$0xFFFFFFC0 ss:$0x1], $0xffff  }
0x4a: {  	s31 =	sshll.u32 s14, $0xA;
	v2 =	vld.idx.msk [tilespmem:v1+s21+$0xFFFFFFD0 ss:$0x1], $0xffff  }
0x4b: {  	s19 =	sand.u32 $0x400, s31;
	v3 =	vld.idx.msk [tilespmem:v1+s21+$0xFFFFFFE0 ss:$0x1], $0xffff;
	[tilespmem:v0+s21+$0x30 ss:$0x1] =	vst.idx.msk $0xffff, v6  }
0x4c: {  	s22 =	simm.s32 $0x400;
	s20 =	simm.s32 $0x80;
	s19 =	sor.u32 $0x800, s19;
	[tilespmem:v0+s21+$0xFFFFFFC0 ss:$0x1] =	vst.idx.msk $0xffff, v8;
	v6 =	vld.idx.msk [tilespmem:v1+s21+$0xFFFFFFF0 ss:$0x1], $0xffff  }
.LBB1_3:
0x4d: {  	p0 =	sne.s32 s22, $0xE00;
	v8 =	vld.idx.msk [tilespmem:v1+s20+$0x0 ss:$0x1], $0xffff;
	[tilespmem:v0+s21+$0xFFFFFFD0 ss:$0x1] =	vst.idx.msk $0xffff, v7  }
0x4e: {  	v9 =	vld.idx.msk [tilespmem:v1+s20+$0xFFFFFF90 ss:$0x1], $0xffff;
	[tilespmem:v0+s21+$0xFFFFFFE0 ss:$0x1] =	vst.idx.msk $0xffff, v5  }
0x4f: {  	v7 =	vld.idx.msk [tilespmem:v1+s20+$0xFFFFFFA0 ss:$0x1], $0xffff;
	[tilespmem:v0+s21+$0xFFFFFFF0 ss:$0x1] =	vst.idx.msk $0xffff, v4  }
.Ltmp3:
0x50: {  	v5 =	vld.idx.msk [tilespmem:v1+s20+$0xFFFFFFB0 ss:$0x1], $0xffff;
	[tilespmem:v0+s21+$0x0 ss:$0x1] =	vst.idx.msk $0xffff, v2;
	(pc) =	sbr.rel @p0 .LBB1_3-.Ltmp3, $4  }
0x51: {  	v4 =	vld.idx.msk [tilespmem:v1+s20+$0xFFFFFFC0 ss:$0x1], $0xffff;
	[tilespmem:v0+s21+$0x10 ss:$0x1] =	vst.idx.msk $0xffff, v3  }
0x52: {  	v2 =	vld.idx.msk [tilespmem:v1+s20+$0xFFFFFFD0 ss:$0x1], $0xffff;
	[tilespmem:v0+s21+$0x20 ss:$0x1] =	vst.idx.msk $0xffff, v6;
	s21 =	smov.u32 s20  }
0x53: {  	v3 =	vld.idx.msk [tilespmem:v1+s21+$0xFFFFFFE0 ss:$0x1], $0xffff;
	[tilespmem:v0+s21+$0x30 ss:$0x1] =	vst.idx.msk $0xffff, v8  }
0x54: {  	s20 =	sshra.s32 s22, $0x2;
	s22 =	sadd.s32 $0x200, s22;
	[tilespmem:v0+s21+$0xFFFFFFC0 ss:$0x1] =	vst.idx.msk $0xffff, v9;
	v6 =	vld.idx.msk [tilespmem:v1+s21+$0xFFFFFFF0 ss:$0x1], $0xffff  }
.Ltmp4:
0x55: {  	_ = 	snop;
	(pc) =	sbr.rel .LBB1_4-.Ltmp4, $1  }
0x56: {  	_ =	sdelay $0x3  }
.LBB1_6:
0x57: {  	_ =	sfence.sel $0x180000  }
0x58: {  	s2 =	simm.s32 $0x1;
	[bflag:$0x0] =	sbarrier.arrive $0xFFFF  }
0x59: {  	s31 =	simm.s32 $0x2;
	[sflag:s2] =	ssyncpa.u1 $0x1  }
0x5a: {  	[sflag:s31] =	ssyncpa.u1 $0x1  }
0x5b: {  	p0 =	sne.s32 s0, $0x0;
	_ =	strace $0x90000047  }
0x5c: {  	s0 =	sadd.s32 @!p0 $0x100000, s1;
	[bflag:$0x2] =	sbarrier.arrive $0xFFFF  }
0x5d: {  	[sflag:s0] =	ssyncadd.tile.s32 @!p0 $0x1;
	_ =	shalt  }
.Lfunc_end1:
_tile_overlayer_lowered:
.L_overlay_start_2:
0x5e: {  	(tag) =	ssettag $0x2  }
0x5f: {  	s0 =	rddreg [dreg:$0x0];
	s2 =	stileid.u32  }
0x60: {  	s1 =	rddreg [dreg:$0x1];
	p0 =	sne.s32 s2, $0x0  }
0x61: {  	s3 =	rddreg [dreg:$0x2];
	[bflag:$0x3] =	sbarrier.arrive $0xFFFF;
	s2 =	simm.s32 @!p0 $0x1C01  }
0x62: {  	[timem:s3], [sflag:s2] =	dma.local @!p0 [hbm:s0], s1  }
0x63: {  	s0 =	simm.s32 @!p0 $0x1  }
0x64: {  	_ =	swait.ge @!p0 [sflag:s0], s1  }
0x65: {  	s1 =	ssub.s32 @!p0 $0x0, s1;
	[sflag:s0] =	ssyncset.done @!p0 $0x0  }
0x66: {  	[sflag:s0] =	ssyncadd.s32 @!p0 s1  }
0x67: {  	[bflag:$0x3] =	sbarrier.arrive $0xFFFF  }
0x68: {  	_ =	shalt  }

</sc_bundles>
